<compile_context>
chip_gen: v7x
topology: tpu7x:2x2x1
jax: 0.10.2.dev20260603
libtpu: 0.0.44.dev20260713+nightly
codegen_flags: <defaults>
</compile_context>

<pallas_src>
import functools

import jax
import jax.numpy as jnp
from jax import lax
from jax.experimental import pallas as pl
from jax.experimental.pallas import tpu as pltpu
from jax.experimental.pallas import tpu_sc as plsc

_FACTOR = 3
_IGNORE = -100
_N = 262144
_C = 21
_BLK = 65536
_G = _N // _BLK

_NW = 32
_RPW = _N // _NW


def _ce_body(pred_ref, label_ref, lse_ref, picked_ref):
    x = pred_ref[...]
    lab = label_ref[0, 0, :]
    m = jnp.max(x)
    e = jnp.exp(x - m)
    s = jnp.sum(e, axis=0)
    lse = jnp.log(s) + m
    cls = lax.broadcasted_iota(jnp.int32, x.shape, 0)
    picked = jnp.sum(jnp.where(cls == lab[None, :], x, 0.0), axis=0)
    i = pl.program_id(0)
    lse_ref[0, i] = jnp.sum(lse)
    picked_ref[0, i] = jnp.sum(picked)


def _ce_pass(pred_t, label):
    label3 = label.reshape(_G, 1, _BLK)
    out = pl.pallas_call(
        _ce_body,
        grid=(_G,),
        in_specs=[
            pl.BlockSpec((_C, _BLK), lambda i: (0, i)),
            pl.BlockSpec((1, 1, _BLK), lambda i: (i, 0, 0)),
        ],
        out_specs=[
            pl.BlockSpec((1, _G), lambda i: (0, 0), memory_space=pltpu.SMEM),
            pl.BlockSpec((1, _G), lambda i: (0, 0), memory_space=pltpu.SMEM),
        ],
        out_shape=[
            jax.ShapeDtypeStruct((1, _G), jnp.float32),
            jax.ShapeDtypeStruct((1, _G), jnp.float32),
        ],
    )(pred_t, label3)
    return jnp.sum(out[0]), jnp.sum(out[1])


def _sc_pos_count_body(label_hbm, out_hbm, lab_v, res_v):
    wid = lax.axis_index("s") * 2 + lax.axis_index("c")
    pltpu.sync_copy(label_hbm.at[pl.ds(wid * _RPW, _RPW)], lab_v)

    def body(k, p):
        labv = lab_v[pl.ds(k * 16, 16)]
        return p + jnp.where(labv != 0, 1.0, 0.0)

    pos = lax.fori_loop(0, _RPW // 16, body, jnp.zeros((16,), jnp.float32))
    res_v[...] = pos
    pltpu.sync_copy(res_v, out_hbm.at[wid])


@functools.cache
def _sc_pos_count():
    return pl.kernel(
        _sc_pos_count_body,
        mesh=plsc.VectorSubcoreMesh(core_axis_name="c", subcore_axis_name="s"),
        out_type=jax.ShapeDtypeStruct((_NW, 16), jnp.float32),
        scratch_types=[
            pltpu.VMEM((_RPW,), jnp.int32),
            pltpu.VMEM((16,), jnp.float32),
        ],
        compiler_params=pltpu.CompilerParams(
            use_tc_tiling_on_sc=False, needs_layout_passes=False
        ),
    )


def _rare_ohem_branch(ops):
    pred, label, pos_num, neg_count, neg_sum = ops
    pred_value = jnp.max(pred[:, 1:], axis=1)
    is_neg = label == 0
    padded = jnp.where(is_neg, -pred_value, jnp.inf)
    sorted_neg_score = jnp.sort(padded)
    raw_idx = neg_sum - 1
    idx = jnp.where(raw_idx >= 0, raw_idx, neg_count + raw_idx)
    idx = jnp.clip(idx, 0, padded.shape[0] - 1)
    threshold = -sorted_neg_score[idx]
    mask = (pred_value >= threshold) | (label != 0)
    masked_label = jnp.where(mask, label, _IGNORE)
    logp = jax.nn.log_softmax(pred, axis=1)
    valid = masked_label != _IGNORE
    safe = jnp.where(valid, masked_label, 0)
    nll = -jnp.take_along_axis(logp, safe[:, None], axis=1)[:, 0]
    denom = jnp.maximum(jnp.sum(valid), 1).astype(pred.dtype)
    return jnp.sum(jnp.where(valid, nll, 0.0)) / denom


def kernel(pred, label):
    pos_parts = _sc_pos_count()(label)
    pred_t = pred.T
    sum_lse, sum_picked = _ce_pass(pred_t, label)
    pos_num = jnp.sum(pos_parts).astype(jnp.int32)
    neg_count = _N - pos_num
    neg_sum = pos_num * _FACTOR
    common = (sum_lse - sum_picked) / jnp.float32(_N)
    return lax.cond(
        neg_count > neg_sum,
        _rare_ohem_branch,
        lambda ops: common,
        (pred, label, pos_num, neg_count, neg_sum),
    )

# --- scband reference (transcript-rebuilt; emitter-appended) ---
"""Pipeline reference for scband-ohemloss-28054726378143 (READ-ONLY COPY).

The authoritative reference and input builder live on the scoring server;
editing this copy changes nothing except your own understanding.
"""

import jax, jax.numpy as jnp
import numpy as np

FACTOR = 3
IGNORE_INDEX = -100
N = 262144
C = 21


def setup_inputs(seed: int = 0) -> dict:
    key = jax.random.key(seed)
    k1, k2 = jax.random.split(key)
    pred = jax.random.normal(k1, (N, C), dtype=jnp.float32)
    # int32 used on the jax side to avoid x64-flag issues; values identical to int64 spec
    label = jax.random.randint(k2, (N,), 0, 21, dtype=jnp.int32)
    return {"pred": pred, "label": label}


def _ohem_mask(pred, label, factor):
    # faithful port of the numpy-based ohem() (operates on concrete values, eager mode)
    pos_num = jnp.sum(label != 0)
    neg_sum = pos_num * factor
    pred_value = jnp.max(pred[:, 1:], axis=1)
    is_neg = label == 0
    neg_count = jnp.sum(is_neg)
    padded = jnp.where(is_neg, -pred_value, jnp.inf)
    sorted_neg_score = jnp.sort(padded)
    raw_idx = neg_sum - 1
    idx = jnp.where(raw_idx >= 0, raw_idx, neg_count + raw_idx)
    idx = jnp.clip(idx, 0, padded.shape[0] - 1)
    threshold = -sorted_neg_score[idx]
    mask_thresh = (pred_value >= threshold) | (label != 0)
    mask_all = label != -1
    mask = jnp.where(neg_count > neg_sum, mask_thresh, mask_all)
    return mask


def _cross_entropy(pred, masked_label, ignore_index):
    logp = jax.nn.log_softmax(pred, axis=1)
    valid = masked_label != ignore_index
    safe = jnp.where(valid, masked_label, 0)
    nll = -jnp.take_along_axis(logp, safe[:, None], axis=1)[:, 0]
    denom = jnp.maximum(jnp.sum(valid), 1).astype(pred.dtype)
    return jnp.sum(jnp.where(valid, nll, 0.0)) / denom


def reference(pred, label):
    mask = _ohem_mask(pred, label, FACTOR)
    masked_label = jnp.where(mask, label, IGNORE_INDEX)
    return _cross_entropy(pred, masked_label, IGNORE_INDEX)

if __name__ == "__main__":
    import jax
    _d = setup_inputs()
    print(jax.jit(kernel)(*tuple(_d.values())))

</pallas_src>

<mosaic_0001>
#map = affine_map<(d0, d1) -> (0)>
#map1 = affine_map<(d0, d1) -> (0, 0)>
module attributes {stable_mosaic.version = 14 : i64} {
  func.func @_sc_pos_count_body(%arg0: i32, %arg1: i32, %arg2: memref<262144xi32, #tpu.memory_space<hbm>>, %arg3: memref<32x16xf32, #tpu.memory_space<hbm>>, %arg4: memref<8192xi32, #tpu.memory_space<vmem>>, %arg5: memref<16xf32, #tpu.memory_space<vmem>>) attributes {dimension_semantics = [#tpu.dimension_semantics<core_parallel>, #tpu.dimension_semantics<subcore_parallel>], iteration_bounds = array<i64: 2, 16>, scalar_prefetch = 0 : i64, scratch_operands = 2 : i64, tpu.core_type = #tpu.core_type<sc_vector_subcore>, window_params = [{transform_indices = #map}, {transform_indices = #map1}]} {
    %mul3A = arith.constant 2 : i32
    %mul3A_0 = arith.muli %arg1, %mul3A : i32
    %add3A = arith.addi %mul3A_0, %arg0 : i32
    %mul3A_1 = arith.constant 8192 : i32
    %mul3A_2 = arith.muli %add3A, %mul3A_1 : i32
    "tpu.region"() ({
      %run_scoped3A = tpu.sem_alloc : memref<!tpu.dma_semaphore, #tpu.memory_space<semaphore_mem>>
      %dma_start3A = tpu.memref_slice %arg2[%mul3A_2] : memref<262144xi32, #tpu.memory_space<hbm>> -> memref<8192xi32, #tpu.memory_space<hbm>>
      %dma_start3A_10 = tpu.memref_slice %arg2[%mul3A_2] : memref<262144xi32, #tpu.memory_space<hbm>> -> memref<8192xi32, #tpu.memory_space<hbm>>
      tpu.enqueue_dma source(%dma_start3A_10 : memref<8192xi32, #tpu.memory_space<hbm>>) target(%arg4 : memref<8192xi32, #tpu.memory_space<vmem>>) target_semaphore(%run_scoped3A : memref<!tpu.dma_semaphore, #tpu.memory_space<semaphore_mem>>)
      %dma_wait3A = tpu.memref_slice %arg2[%mul3A_2] : memref<262144xi32, #tpu.memory_space<hbm>> -> memref<8192xi32, #tpu.memory_space<hbm>>
      %dma_wait3A_11 = tpu.memref_slice %arg2[%mul3A_2] : memref<262144xi32, #tpu.memory_space<hbm>> -> memref<8192xi32, #tpu.memory_space<hbm>>
      tpu.wait_dma2 semaphore(%run_scoped3A : memref<!tpu.dma_semaphore, #tpu.memory_space<semaphore_mem>>) src(%dma_wait3A_11 : memref<8192xi32, #tpu.memory_space<hbm>>) dst(%arg4 : memref<8192xi32, #tpu.memory_space<vmem>>)
      tpu.yield
    }) : () -> ()
    %broadcast_in_dim3A = arith.constant 0.000000e+00 : f32
    %broadcast_in_dim3A_3 = vector.broadcast %broadcast_in_dim3A : f32 to vector<16xf32>
    %scan3A = arith.constant 0 : i32
    %scan3A_4 = arith.constant 512 : i32
    %scan3A_5 = arith.addi %scan3A, %scan3A_4 : i32
    %scan3A_6 = arith.constant 1 : i32
    %scan3A_7 = scf.for %scan3A_10 = %scan3A to %scan3A_5 step %scan3A_6 iter_args(%scan3A_11 = %broadcast_in_dim3A_3) -> (vector<16xf32>)  : i32 {
      %mul3A_12 = arith.constant 16 : i32
      %mul3A_13 = arith.muli %scan3A_10, %mul3A_12 : i32
      %get3A = arith.index_cast %mul3A_13 : i32 to index
      %get3A_14 = tpu.vector_load %arg4[%get3A] {strides = array<i32>} : memref<8192xi32, #tpu.memory_space<vmem>>, vector<16xi32>,
      %ne3A = arith.constant 0 : i32
      %ne3A_15 = vector.broadcast %ne3A : i32 to vector<16xi32>
      %ne3A_16 = arith.cmpi ne, %get3A_14, %ne3A_15 : vector<16xi32>
      %jit3A = arith.constant 1.000000e+00 : f32
      %jit3A_17 = arith.constant 0.000000e+00 : f32
      %broadcast_in_dim3A_18 = vector.broadcast %jit3A : f32 to vector<16xf32>
      %broadcast_in_dim3A_19 = vector.broadcast %jit3A_17 : f32 to vector<16xf32>
      %select_n3A = arith.select %ne3A_16, %broadcast_in_dim3A_18, %broadcast_in_dim3A_19 : vector<16xi1>, vector<16xf32>
      %add3A_20 = arith.addf %scan3A_11, %select_n3A : vector<16xf32>
      scf.yield %add3A_20 : vector<16xf32>
    }
    %scan3A_8 = arith.constant 512 : i32
    %swap3A = arith.constant 0 : index
    %swap3A_9 = tpu.vector_load %arg5[%swap3A] {strides = array<i32>} : memref<16xf32, #tpu.memory_space<vmem>>, vector<16xf32>,
    tpu.vector_store %arg5[%swap3A], %scan3A_7 {strides = array<i32>} : memref<16xf32, #tpu.memory_space<vmem>>, vector<16xf32>,
    "tpu.region"() ({
      %run_scoped3A = tpu.sem_alloc : memref<!tpu.dma_semaphore, #tpu.memory_space<semaphore_mem>>
      %dma_start3A = arith.constant 0 : i32
      %dma_start3A_10 = tpu.memref_slice %arg3[%add3A, %dma_start3A] : memref<32x16xf32, #tpu.memory_space<hbm>> -> memref<1x16xf32, #tpu.memory_space<hbm>>
      %dma_start3A_11 = tpu.memref_squeeze %dma_start3A_10 : memref<1x16xf32, #tpu.memory_space<hbm>> -> memref<16xf32, #tpu.memory_space<hbm>>
      %dma_start3A_12 = arith.constant 0 : i32
      %dma_start3A_13 = tpu.memref_slice %arg3[%add3A, %dma_start3A_12] : memref<32x16xf32, #tpu.memory_space<hbm>> -> memref<1x16xf32, #tpu.memory_space<hbm>>
      %dma_start3A_14 = tpu.memref_squeeze %dma_start3A_13 : memref<1x16xf32, #tpu.memory_space<hbm>> -> memref<16xf32, #tpu.memory_space<hbm>>
      tpu.enqueue_dma source(%arg5 : memref<16xf32, #tpu.memory_space<vmem>>) target(%dma_start3A_14 : memref<16xf32, #tpu.memory_space<hbm>>) target_semaphore(%run_scoped3A : memref<!tpu.dma_semaphore, #tpu.memory_space<semaphore_mem>>)
      %dma_wait3A = arith.constant 0 : i32
      %dma_wait3A_15 = tpu.memref_slice %arg3[%add3A, %dma_wait3A] : memref<32x16xf32, #tpu.memory_space<hbm>> -> memref<1x16xf32, #tpu.memory_space<hbm>>
      %dma_wait3A_16 = tpu.memref_squeeze %dma_wait3A_15 : memref<1x16xf32, #tpu.memory_space<hbm>> -> memref<16xf32, #tpu.memory_space<hbm>>
      %dma_wait3A_17 = arith.constant 0 : i32
      %dma_wait3A_18 = tpu.memref_slice %arg3[%add3A, %dma_wait3A_17] : memref<32x16xf32, #tpu.memory_space<hbm>> -> memref<1x16xf32, #tpu.memory_space<hbm>>
      %dma_wait3A_19 = tpu.memref_squeeze %dma_wait3A_18 : memref<1x16xf32, #tpu.memory_space<hbm>> -> memref<16xf32, #tpu.memory_space<hbm>>
      tpu.wait_dma2 semaphore(%run_scoped3A : memref<!tpu.dma_semaphore, #tpu.memory_space<semaphore_mem>>) src(%arg5 : memref<16xf32, #tpu.memory_space<vmem>>) dst(%dma_wait3A_19 : memref<16xf32, #tpu.memory_space<hbm>>)
      tpu.yield
    }) : () -> ()
    return
  }
}

module attributes {stable_mosaic.version = 14 : i64} {
  func.func @_ce_body(%arg0: i32, %arg1: memref<21x65536xf32, #tpu.memory_space<vmem>>, %arg2: memref<1x1x65536xi32, #tpu.memory_space<vmem>>, %arg3: memref<1x4xf32, #tpu.memory_space<smem>>, %arg4: memref<1x4xf32, #tpu.memory_space<smem>>) attributes {dimension_semantics = [#tpu.dimension_semantics<arbitrary>], iteration_bounds = array<i64: 4>, scalar_prefetch = 0 : i64, scratch_operands = 0 : i64, tpu.core_type = #tpu.core_type<tc>, window_params = [{transform_indices = @transform_0, window_bounds = array<i64: 21, 65536>}, {transform_indices = @transform_1, window_bounds = array<i64: 1, 1, 65536>}, {transform_indices = @transform_2, window_bounds = array<i64: 1, 4>}, {transform_indices = @transform_3, window_bounds = array<i64: 1, 4>}]} {
    %get3A = arith.constant 0 : index
    %get3A_0 = arith.constant 0 : index
    %get3A_1 = vector.load %arg1[%get3A, %get3A_0] : memref<21x65536xf32, #tpu.memory_space<vmem>>, vector<21x65536xf32>
    %get3A_2 = arith.constant 0 : index
    %get3A_3 = arith.constant 0 : index
    %get3A_4 = arith.constant 0 : index
    %get3A_5 = vector.load %arg2[%get3A_2, %get3A_3, %get3A_4] : memref<1x1x65536xi32, #tpu.memory_space<vmem>>, vector<1x1x65536xi32>
    %get3A_6 = vector.shape_cast %get3A_5 : vector<1x1x65536xi32> to vector<65536xi32>
    %reduce_max3A = vector.shape_cast %get3A_1 : vector<21x65536xf32> to vector<1x21x65536xf32>
    %reduce_max3A_7 = arith.constant dense<0xFF800000> : vector<1xf32>
    %reduce_max3A_8 = vector.multi_reduction <maximumf>, %reduce_max3A, %reduce_max3A_7 [1, 2] : vector<1x21x65536xf32> to vector<1xf32>
    %reduce_max3A_9 = vector.shape_cast %reduce_max3A_8 : vector<1xf32> to vector<1x1x1xf32>
    %reduce_max3A_10 = vector.extract %reduce_max3A_9[0, 0, 0] : f32 from vector<1x1x1xf32>
    %sub3A = vector.broadcast %reduce_max3A_10 : f32 to vector<21x65536xf32>
    %sub3A_11 = arith.subf %get3A_1, %sub3A : vector<21x65536xf32>
    %exp3A = math.exp %sub3A_11 : vector<21x65536xf32>
    %reduce_sum3A = arith.constant dense<0.000000e+00> : vector<65536xf32>
    %reduce_sum3A_12 = vector.multi_reduction <add>, %exp3A, %reduce_sum3A [0] : vector<21x65536xf32> to vector<65536xf32>
    %log3A = math.log %reduce_sum3A_12 : vector<65536xf32>
    %add3A = vector.broadcast %reduce_max3A_10 : f32 to vector<65536xf32>
    %add3A_13 = arith.addf %log3A, %add3A : vector<65536xf32>
    %iota3A = tpu.iota {dimensions = array<i32: 0>} : vector<21x65536xi32>
    %broadcast_in_dim3A = vector.shape_cast %get3A_6 : vector<65536xi32> to vector<1x65536xi32>
    %eq3A = vector.broadcast %broadcast_in_dim3A : vector<1x65536xi32> to vector<21x65536xi32>
    %eq3A_14 = arith.cmpi eq, %iota3A, %eq3A : vector<21x65536xi32>
    %jit3A = arith.constant 0.000000e+00 : f32
    %broadcast_in_dim3A_15 = vector.broadcast %jit3A : f32 to vector<21x65536xf32>
    %select_n3A = arith.select %eq3A_14, %get3A_1, %broadcast_in_dim3A_15 : vector<21x65536xi1>, vector<21x65536xf32>
    %reduce_sum3A_16 = arith.constant dense<0.000000e+00> : vector<65536xf32>
    %reduce_sum3A_17 = vector.multi_reduction <add>, %select_n3A, %reduce_sum3A_16 [0] : vector<21x65536xf32> to vector<65536xf32>
    %reduce_sum3A_18 = vector.shape_cast %add3A_13 : vector<65536xf32> to vector<1x65536xf32>
    %reduce_sum3A_19 = arith.constant dense<0.000000e+00> : vector<1xf32>
    %reduce_sum3A_20 = vector.multi_reduction <add>, %reduce_sum3A_18, %reduce_sum3A_19 [1] : vector<1x65536xf32> to vector<1xf32>
    %reduce_sum3A_21 = vector.shape_cast %reduce_sum3A_20 : vector<1xf32> to vector<1x1xf32>
    %reduce_sum3A_22 = vector.extract %reduce_sum3A_21[0, 0] : f32 from vector<1x1xf32>
    %swap3A = arith.constant 0 : index
    %swap3A_23 = arith.index_cast %arg0 : i32 to index
    %swap3A_24 = memref.load %arg3[%swap3A, %swap3A_23] : memref<1x4xf32, #tpu.memory_space<smem>>
    memref.store %reduce_sum3A_22, %arg3[%swap3A, %swap3A_23] : memref<1x4xf32, #tpu.memory_space<smem>>
    %reduce_sum3A_25 = vector.shape_cast %reduce_sum3A_17 : vector<65536xf32> to vector<1x65536xf32>
    %reduce_sum3A_26 = arith.constant dense<0.000000e+00> : vector<1xf32>
    %reduce_sum3A_27 = vector.multi_reduction <add>, %reduce_sum3A_25, %reduce_sum3A_26 [1] : vector<1x65536xf32> to vector<1xf32>
    %reduce_sum3A_28 = vector.shape_cast %reduce_sum3A_27 : vector<1xf32> to vector<1x1xf32>
    %reduce_sum3A_29 = vector.extract %reduce_sum3A_28[0, 0] : f32 from vector<1x1xf32>
    %swap3A_30 = arith.constant 0 : index
    %swap3A_31 = arith.index_cast %arg0 : i32 to index
    %swap3A_32 = memref.load %arg4[%swap3A_30, %swap3A_31] : memref<1x4xf32, #tpu.memory_space<smem>>
    memref.store %reduce_sum3A_29, %arg4[%swap3A_30, %swap3A_31] : memref<1x4xf32, #tpu.memory_space<smem>>
    return
  }
  func.func @transform_0(%arg0: i32) -> (i32, i32) {
    %c0_i32 = arith.constant 0 : i32
    %c0_i32_0 = arith.constant 0 : i32
    return %c0_i32, %arg0 : i32, i32
  }
  func.func @transform_1(%arg0: i32) -> (i32, i32, i32) {
    %c0_i32 = arith.constant 0 : i32
    %c0_i32_0 = arith.constant 0 : i32
    %c0_i32_1 = arith.constant 0 : i32
    return %arg0, %c0_i32, %c0_i32_0 : i32, i32, i32
  }
  func.func @transform_2(%arg0: i32) -> (i32, i32) {
    %c0_i32 = arith.constant 0 : i32
    %c0_i32_0 = arith.constant 0 : i32
    %c0_i32_1 = arith.constant 0 : i32
    return %c0_i32, %c0_i32_0 : i32, i32
  }
  func.func @transform_3(%arg0: i32) -> (i32, i32) {
    %c0_i32 = arith.constant 0 : i32
    %c0_i32_0 = arith.constant 0 : i32
    %c0_i32_1 = arith.constant 0 : i32
    return %c0_i32, %c0_i32_0 : i32, i32
  }
}

</mosaic_0001>

<sc_bundles>
// kernel: gather_offload_async_start
scs
__scs_entry_jumppad:
0x0: {  	(pc) =	sbr.rel $0x88, $3  }
0x1: {  	(tag) =	ssettag $0x0;
	lr =	simm.s32 $0x1  }
0x2: {  	[smem:$0x3F9F] =	sst lr;
	_ =	strace $0xD0000000  }
0x3: {  	_ = 	snop  }
0x4: {  	_ = 	snop  }
0x5: {  	_ = 	snop  }
0x6: {  	_ = 	snop  }
0x7: {  	_ = 	snop  }
__scs_overlays_trampoline_lowered:
0x8: {  	[smem:$0x3FAE] =	sst s0  }
0x9: {  	[smem:$0x3FAF] =	sst s1  }
0xa: {  	[smem:$0x3FB0] =	sst s2  }
0xb: {  	[smem:$0x3FB1] =	sst s3  }
0xc: {  	[smem:$0x3FB2] =	sst s4  }
0xd: {  	[smem:$0x3FB3] =	sst s5  }
0xe: {  	[smem:$0x3FB4] =	sst s6  }
0xf: {  	[smem:$0x3FB5] =	sst s7  }
0x10: {  	[smem:$0x3FB6] =	sst s8  }
0x11: {  	[smem:$0x3FB7] =	sst s9;
	s0 =	simm.s32 @!p0 $0x0  }
0x12: {  	s1 =	sld [smem:$0x3F9D];
	s0 =	simm.s32 @p0 $0x1  }
0x13: {  	[smem:$0x3FB8] =	sst s0;
	s0 =	simm.s32 @!p1 $0x0  }
0x14: {  	s2 =	sld [smem:$0x3F9C];
	s0 =	simm.s32 @p1 $0x1  }
0x15: {  	[smem:$0x3FB9] =	sst s0;
	s0 =	simm.s32 @!p2 $0x0  }
0x16: {  	s3 =	sld [smem:$0x3FDB];
	s0 =	simm.s32 @p2 $0x1  }
0x17: {  	s4 =	simm.s32 $0x1BF5;
	[smem:$0x3FBB] =	sst s0  }
0x18: {  	s0 =	sld [smem:$0x3F9E];
	_ =	swait.ge [sflag:s4], $0x0  }
0x19: {  	s7 =	sld [smem:$0x3F9F]  }
0x1a: {  	s8 =	sadd.s32 $0xFFFFE003, lr  }
0x1b: {  	s9 =	sadd.s32 $0xFFFFFEF7, lr;
	s5 =	simm.s32 $0xFFFFFFFF;
	p2 =	slt.u32 s8, $0xFFFFF086  }
0x1c: {  	p1 =	slt.u32 s9, $0xF7A;
	s5 =	simm.s32 @!p2 $0x0  }
0x1d: {  	s5 =	simm.s32 @p1 $0x1;
	p0 =	seq.s32 s7, s2  }
0x1e: {  	s7 =	smul.u32 @!p0 $0xF7A, s2;
	p2 =	seq.s32 @!p0 s5, $0x0  }
0x1f: {  	s9 =	smul.u32 $0xF7A, s1;
	s8 =	simm.s32 @!p0 $0x1BF5;
	p2 =	por !p2, p0  }
0x20: {  	[sflag:s8] =	ssyncset.s32 @!p0 $0xFFFFF086;
	s6 =	sadd.s32 @!p0 s3, s7;
	s7 =	simm.s32 @!p0 $0x108  }
0x21: {  	s3 =	sadd.s32 s3, s9;
	s6 =	sadd.s32 @!p0 $0x88, s6;
	s7 =	simm.s32 @p2 $0x1082  }
0x22: {  	[simem:s7], [sflag:s8] =	dma.local @!p0 [hbm:s6], $0xF7A  }
0x23: {  	s9 =	sor.u32 $0xD0000000, s2;
	s6 =	simm.s32 $0x108;
	_ =	swait.ge @!p0 [sflag:s8], $0x0  }
0x24: {  	s3 =	sadd.s32 $0x88, s3;
	s6 =	simm.s32 @!p1 $0x1082;
	[sflag:s4] =	ssyncset.s32 $0xFFFFF086  }
0x25: {  	[simem:s6], [sflag:s4] =	dma.local [hbm:s3], $0xF7A  }
0x26: {  	[smem:$0x3F9F] =	sst s1;
	(tag) =	ssettag s2;
	_ =	strace s9  }
0x27: {  	s1 =	sld [smem:$0x3FAF]  }
0x28: {  	s2 =	sld [smem:$0x3FB0]  }
0x29: {  	s4 =	sld [smem:$0x3FB2]  }
0x2a: {  	p0 =	seq.s32 s5, $0x0;
	s5 =	sld [smem:$0x3FB3]  }
0x2b: {  	s6 =	sld [smem:$0x3FB4]  }
0x2c: {  	s7 =	sld [smem:$0x3FB5]  }
0x2d: {  	s3 =	simm.s32 $0x108;
	s8 =	sld [smem:$0x3FB6]  }
0x2e: {  	s3 =	simm.s32 @!p0 $0x1082;
	s9 =	sld [smem:$0x3FB7]  }
0x2f: {  	lr =	sadd.s32 s0, s3;
	s0 =	sld [smem:$0x3FAE]  }
0x30: {  	s3 =	sld [smem:$0x3FB1]  }
0x31: {  	[smem:$0x3FBA] =	sst s10  }
0x32: {  	s10 =	sld [smem:$0x3FB8];
	_ =	sdelay $0x3  }
0x33: {  	p0 =	seq.s32 s10, $0x1;
	s10 =	sld [smem:$0x3FBA];
	_ =	sdelay $0x3  }
0x34: {  	[smem:$0x3FBA] =	sst s10  }
0x35: {  	s10 =	sld [smem:$0x3FB9];
	_ =	sdelay $0x3  }
0x36: {  	p1 =	seq.s32 s10, $0x1;
	s10 =	sld [smem:$0x3FBA];
	_ =	sdelay $0x3  }
0x37: {  	[smem:$0x3FBA] =	sst s10  }
0x38: {  	s10 =	sld [smem:$0x3FBB]  }
0x39: {  	_ = 	snop;
	(pc) =	sbr.ind lr, $3  }
0x3a: {  	_ = 	snop  }
0x3b: {  	_ = 	snop  }
0x3c: {  	p2 =	seq.s32 s10, $0x1;
	s10 =	sld [smem:$0x3FBA]  }
0x3d: {  	_ =	shalt  }
0x3e: {  	_ =	shalt  }
0x3f: {  	_ =	shalt  }
0x40: {  	_ =	shalt  }
0x41: {  	_ =	shalt  }
0x42: {  	_ =	shalt  }
0x43: {  	_ =	shalt  }
0x44: {  	_ =	shalt  }
0x45: {  	_ =	shalt  }
0x46: {  	_ =	shalt  }
0x47: {  	_ =	shalt  }
0x48: {  	_ =	shalt  }
0x49: {  	_ =	shalt  }
0x4a: {  	_ =	shalt  }
0x4b: {  	_ =	shalt  }
0x4c: {  	_ =	shalt  }
0x4d: {  	_ =	shalt  }
0x4e: {  	_ =	shalt  }
0x4f: {  	_ =	shalt  }
0x50: {  	_ =	shalt  }
0x51: {  	_ =	shalt  }
0x52: {  	_ =	shalt  }
0x53: {  	_ =	shalt  }
0x54: {  	_ =	shalt  }
0x55: {  	_ =	shalt  }
0x56: {  	_ =	shalt  }
0x57: {  	_ =	shalt  }
0x58: {  	_ =	shalt  }
0x59: {  	_ =	shalt  }
0x5a: {  	_ =	shalt  }
0x5b: {  	_ =	shalt  }
0x5c: {  	_ =	shalt  }
0x5d: {  	_ =	shalt  }
0x5e: {  	_ =	shalt  }
0x5f: {  	_ =	shalt  }
0x60: {  	_ =	shalt  }
0x61: {  	_ =	shalt  }
0x62: {  	_ =	shalt  }
0x63: {  	_ =	shalt  }
0x64: {  	_ =	shalt  }
0x65: {  	_ =	shalt  }
0x66: {  	_ =	shalt  }
0x67: {  	_ =	shalt  }
0x68: {  	_ =	shalt  }
0x69: {  	_ =	shalt  }
0x6a: {  	_ =	shalt  }
0x6b: {  	_ =	shalt  }
0x6c: {  	_ =	shalt  }
0x6d: {  	_ =	shalt  }
0x6e: {  	_ =	shalt  }
0x6f: {  	_ =	shalt  }
0x70: {  	_ =	shalt  }
0x71: {  	_ =	shalt  }
0x72: {  	_ =	shalt  }
0x73: {  	_ =	shalt  }
0x74: {  	_ =	shalt  }
0x75: {  	_ =	shalt  }
0x76: {  	_ =	shalt  }
0x77: {  	_ =	shalt  }
0x78: {  	_ =	shalt  }
0x79: {  	_ =	shalt  }
0x7a: {  	_ =	shalt  }
0x7b: {  	_ =	shalt  }
0x7c: {  	_ =	shalt  }
0x7d: {  	_ =	shalt  }
0x7e: {  	_ =	shalt  }
0x7f: {  	_ =	shalt  }
0x80: {  	_ =	shalt  }
0x81: {  	_ =	shalt  }
0x82: {  	_ =	shalt  }
0x83: {  	_ =	shalt  }
0x84: {  	_ =	shalt  }
0x85: {  	_ =	shalt  }
0x86: {  	_ =	shalt  }
0x87: {  	_ =	shalt  }
.Lfunc_end0:
.L_simem_size_0:
called_computation_lowered:
.L_overlay_start_0:
0x88: {  	s2 =	sld [smem:$0x3FD9]  }
0x89: {  	s3 =	sld [smem:$0x3FFE];
	_ =	sdelay $0x1  }
0x8a: {  	s1 =	srdreg.scid  }
0x8b: {  	s0 =	sand.u32 $0x1, s1  }
0x8c: {  	s16 =	sshll.u32 s0, $0xA;
	s2 =	sadd.s32 s3, s2  }
0x8d: {  	s2 =	sadd.s32 s2, s16  }
0x8e: {  	[smem:$0x3FC6] =	sst s2  }
0x8f: {  	_ = 	snop  }
0x90: {  	(tm) =	ssettm $0x1  }
0x91: {  	s17 =	sld [smem:$0x3FFB];
	_ =	sdelay $0x3  }
0x92: {  	_ =	strace s17  }
0x93: {  	s2 =	sld [smem:$0x3FFC];
	_ =	sdelay $0x3  }
0x94: {  	_ =	strace s2  }
0x95: {  	s2 =	sld [smem:$0x3FFD];
	_ =	sdelay $0x3  }
0x96: {  	_ =	strace s2  }
0x97: {  	_ =	strace $0x8FFFFFFF  }
0x98: {  	s18 =	sld [smem:$0x3FDB];
	_ =	sdelay $0x1  }
0x99: {  	s19 =	simm.s32 $_scs_section_size  }
0x9a: {  	s4 =	simm.s32 $_size__tile_overlayer_lowered;
	s5 =	simm.s32 $_tile_overlayer_lowered  }
0x9b: {  	s22 =	simm.s32 $0x1BFF;
	s21 =	sshll.u32 s5, $0x1;
	s2 =	sadd.s32 s19, s18  }
0x9c: {  	s6 =	simm.s32 $0x0;
	s20 =	sshll.u32 s4, $0x1;
	s4 =	sadd.s32 s21, s2  }
0x9d: {  	[timem:s6], [sflag:s22] =	dma.local [hbm:s4], s20  }
0x9e: {  	_ =	swait.ge [sflag:s22], s20  }
0x9f: {  	s3 =	ssub.s32 $0x0, s20;
	[sflag:s22] =	ssyncset.done $0x0  }
0xa0: {  	[sflag:s22] =	ssyncadd.s32 s3;
	_ =	sdelay $0x1  }
0xa1: {  	s23 =	simm.s32 $0x1B8B  }
0xa2: {  	_ =	swait.ge [sflag:s23], $0x1  }
0xa3: {  	[sflag:s23] =	ssyncset.done $0x0  }
0xa4: {  	s25 =	simm.s32 $0x1B8E;
	s24 =	sld [smem:$0x3FFE];
	[sflag:s23] =	ssyncadd.s32 $0xFFFFFFFF  }
0xa5: {  	s26 =	simm.s32 $execute0_lowered;
	[smem:$0x3FD2] =	sst s25  }
0xa6: {  	s4 =	sshll.u32 s26, $0x1;
	_ =	strace $0x80000046;
	[dreg:$0x1] =	wrdreg $0xFFFFFFFF  }
0xa7: {  	s28 =	simm.s32 $_size_execute0_lowered;
	s2 =	sadd.s32 s2, s4;
	[dreg:$0x0] =	wrdreg $0x0  }
0xa8: {  	s4 =	sshll.u32 s28, $0x1;
	[dreg:$0x2] =	wrdreg s2  }
0xa9: {  	[dreg:$0x3] =	wrdreg s4  }
0xaa: {  	[dreg:$0x4] =	wrdreg $0xC0  }
0xab: {  	_ =	task [dreg:s6], $0x5FFFF  }
0xac: {  	[dreg:$0x1] =	wrdreg $0xFFFFFFFF  }
0xad: {  	[dreg:$0x0] =	wrdreg $0x60  }
0xae: {  	[dreg:$0x2] =	wrdreg s24  }
0xaf: {  	[dreg:$0x3] =	wrdreg $0x9  }
0xb0: {  	_ =	task.clear_ibuf [dreg:s6], $0x4FFFF;
	_ =	strace $0x90000046  }
0xb1: {  	s29 =	simm.s32 $0x9;
	_ =	strace $0x80000048  }
0xb2: {  	_ =	swait.ge [sflag:s29], $0x1  }
0xb3: {  	[sflag:s29] =	ssyncadd.s32 $0xFFFFFFFF  }
0xb4: {  	_ =	strace $0x90000048  }
0xb5: {  	_ =	sfence  }
0xb6: {  	s30 =	sld [smem:$0x0];
	_ =	sdelay $0x2  }
0xb7: {  	s31 =	sshll.u32 s1, $0xD;
	s1 =	sshrl.u32 s1, $0x2  }
0xb8: {  	s3 =	sand.u32 $0x4000, s31;
	s1 =	sadd.s32 s1, s30  }
0xb9: {  	s0 =	sor.u32 s3, s0;
	s1 =	sshll.u32 s1, $0x11  }
0xba: {  	s0 =	sor.u32 s1, s0  }
0xbb: {  	s0 =	sadd.s32 $0x8F2B, s0  }
0xbc: {  	[sflag:s0] =	ssyncadd.remote.s32 $0x1  }
0xbd: {  	_ =	sfence.sel $0xFFFF  }
0xbe: {  	[dreg:$0x0] =	wrdreg $0xFFFFFFFF;
	(pc) =	sbr.abs _section_cstart, $3  }
0xbf: {  	[dreg:$0x1] =	wrdreg $0xFFFFFFFF  }
0xc0: {  	_ =	task.clear_ibuf [dreg:s6], $0x2FFFF;
	_ =	strace $0x9FFFFFFF  }
0xc1: {  	(tm) =	ssettm $0x7FFFFFFF  }
tec
execute0_lowered:
.L_overlay_start_1:
0x0: {  	(tag) =	ssettag $0x1  }
0x1: {  	s0 =	srdreg.scid;
	s5 =	rddreg [dreg:$0x0]  }
0x2: {  	s1 =	stileid.u32;
	s6 =	simm.s32 $0x1;
	s9 =	simm.s32 $0x1  }
0x3: {  	s10 =	simm.s32 $0x3;
	s13 =	simm.s32 $0x0;
	s2 =	sshll.u32 s0, $0xC  }
0x4: {  	s12 =	simm.s32 $0x0;
	s3 =	sshll.u32 s1, $0xD;
	s2 =	sand.u32 $0x1000, s2  }
0x5: {  	s0 =	rddreg [dreg:$0x1];
	_ =	strace $0x80000047;
	s2 =	sor.u32 s3, s2  }
0x6: {  	s4 =	sadd.s32 $0xA800, s5;
	[sflag:s6] =	ssyncpa.u1 $0x0;
	s8 =	ssub.s32 $0x40000, s2  }
.Ltmp0:
0x7: {  	s3 =	sadd.s32 $0x12800, s5;
	s7 =	sand.u32 $0x1F000, s8;
	(pc) =	sbr.rel .LBB2_1-.Ltmp0, $4  }
0x8: {  	s5 =	sadd.s32 $0xD2800, s5;
	s11 =	smov.u32 s2;
	p0 =	sne.s32 s7, $0x0  }
0x9: {  	s8 =	sshrl.u32 s8, $0x11;
	s7 =	simm.s32 $0x2;
	s9 =	simm.s32 @!p0 $0x0  }
0xa: {  	[sflag:s7] =	ssyncpa.u1 $0x0;
	p0 =	por $0x0, $0x0;
	s8 =	sadd.s32 s9, s8  }
0xb: {  	vm0 =	vmmov $0xffff;
	[sflag:s10] =	ssyncpa.u1 $0x0;
	s10 =	simm.s32 $0x0;
	s9 =	sadd.s32 $0x1, s8  }
.LBB2_4:
0xc: {  	vm1 =	veq.s32 v0, $0x80000000;
	v63 =	vand.u32 $0x3FFFF, v0;
	v2 =	vand.u32 $0x1F, v2  }
0xd: {  	v0 =	vsel vm1, $0xFFFFFFFF, v63;
	v2 =	vsel vm1, $0xFFFFFFFF, v2  }
0xe: {  	v3 =	vshll.u32 v2, $0x12;
	v4 =	vshll.u32 v0, $0x3  }
0xf: {  	v2 =	vshll.u32 v2, $0x7;
	v3 =	vand.u32 $0xFFE00000, v3;
	v4 =	vand.u32 $0xFFFFFC00, v4  }
0x10: {  	v2 =	vand.u32 $0x380, v2;
	v3 =	vadd.s32 v4, v3  }
0x11: {  	v0 =	vand.u32 $0x7F, v0;
	v2 =	vor.u32 v2, v3  }
0x12: {  	v0 =	vor.u32 v0, v2;
	_ =	sdelay $0x1  }
0x13: {  	(ifvalue) =	ssetifvalue $0x7FFFFFFF;
	s14 =	sadd.s32 $0x10, s14  }
0x14: {  	[tilespmem:s14], [sflag:$0x1] =	stream.indirect_vreg.gather [hbm4b:s3+s10], $0x1, v1, vm0, $0x4038;
	[tilespmem:$0x4000] =	vst v63  }
0x15: {  	(ifvalue) =	ssetifvalue $0x7FFFFFFF;
	s14 =	sadd.s32 $0x10, s14  }
0x16: {  	[tilespmem:s14], [sflag:$0x1] =	stream.indirect_vreg.gather [hbm4b:s3+s10], $0x1, v0, vm0, $0x4038;
	[tilespmem:$0x4000] =	vst v63  }
0x17: {  	_ =	swait.ge [sflag:s6], $0x1000  }
0x18: {  	s30 =	sshrl.u32 s13, $0x3;
	[sflag:s6] =	ssyncset.done $0x0  }
0x19: {  	s31 =	sand.u32 $0x7, s13;
	s14 =	sadd.s32 s5, s30;
	[sflag:s6] =	ssyncadd.s32 $0xFFFFF000  }
0x1a: {  	[hbm4b:s14+s31] =	stream.linear.scatter [tilespmem:s15], [sflag:$0x3], $0x1000, $0x38;
	[tilespmem:$0x4000] =	vst v63  }
.LBB2_5:
0x1b: {  	s15 =	sadd.s32 $0x20000, s11  }
0x1c: {  	p2 =	sgt.s32 s15, $0x3FFFF  }
0x1d: {  	s15 =	smov.u32 @p2 s2;
	p2 =	sne.s32 s12, s9  }
.Ltmp1:
0x1e: {  	p1 =	slt.u32 s12, $0x2;
	(pc) =	sbr.rel @!p2 .LBB2_6-.Ltmp1, $4  }
0x1f: {  	s14 =	simm.s32 @!p1 $0x3  }
0x20: {  	s16 =	sadd.s32 $0x1, s12;
	_ =	swait.ge @!p1 [sflag:s14], $0x1000  }
0x21: {  	s13 =	smov.u32 s11;
	p0 =	por !p0, !p0;
	[sflag:s14] =	ssyncset.done @!p1 $0x0  }
0x22: {  	s12 =	smov.u32 s16;
	s11 =	smov.u32 s15;
	[sflag:s14] =	ssyncadd.s32 @!p1 $0xFFFFF000  }
.LBB2_1:
0x23: {  	p1 =	sge.u32 s12, s8  }
0x24: {  	s14 =	sxor.u32 @!p1 $0xFFFFFFFF, s12  }
0x25: {  	s31 =	sadd.s32 $0xFFFFFFFF, s12;
	s15 =	sshrl.u32 @!p1 s11, $0x3;
	s14 =	sshll.u32 @!p1 s14, $0xC  }
0x26: {  	s16 =	sand.u32 @!p1 $0x7, s11;
	s15 =	sadd.s32 @!p1 s4, s15;
	s14 =	sand.u32 @!p1 $0x1000, s14  }
0x27: {  	[tilespmem:s14], [sflag:$0x2] =	stream.linear.gather @!p1 [hbm4b:s15+s16], $0x1000, $0x38;
	[tilespmem:$0x4000] =	vst v63  }
0x28: {  	p1 =	sge.u32 s31, s8  }
.Ltmp2:
0x29: {  	_ = 	snop;
	(pc) =	sbr.rel @p1 .LBB2_5-.Ltmp2, $1  }
0x2a: {  	_ =	sdelay $0x3  }
0x2b: {  	s14 =	simm.s32 $0x1  }
0x2c: {  	_ =	swait.ge [sflag:s7], $0x1000;
	s14 =	simm.s32 @!p0 $0x0  }
0x2d: {  	[sflag:s7] =	ssyncset.done $0x0;
	s14 =	sshll.u32 s14, $0xC  }
0x2e: {  	[sflag:s7] =	ssyncadd.s32 $0xFFFFF000;
	(ifvalue) =	ssetifvalue $0x7FFFFFFF;
	v0 =	vld.msk [tilespmem:s14+$0x0 ss:$0x1], $0xffff;
	_ =	sdelay $0x4  }
0x2f: {  	s15 =	sadd.s32 $0x10, s14;
	v1 =	vshrl.u32 v0, $0x12  }
0x30: {  	v2 =	vld.msk [tilespmem:s15+$0x0 ss:$0x1], $0xffff;
	vm1 =	veq.s32 v0, $0x80000000;
	v0 =	vand.u32 $0x3FFFF, v0;
	v1 =	vand.u32 $0x1F, v1  }
0x31: {  	v0 =	vsel vm1, $0xFFFFFFFF, v0;
	v1 =	vsel vm1, $0xFFFFFFFF, v1  }
0x32: {  	v4 =	vshll.u32 v0, $0x3;
	v3 =	vshll.u32 v1, $0x12  }
0x33: {  	v4 =	vand.u32 $0xFFFFFC00, v4;
	v1 =	vshll.u32 v1, $0x7;
	v3 =	vand.u32 $0xFFE00000, v3  }
0x34: {  	v0 =	vand.u32 $0x7F, v0;
	v1 =	vand.u32 $0x380, v1;
	v3 =	vadd.s32 v4, v3  }
0x35: {  	vm1 =	veq.s32 v2, $0x80000000;
	v1 =	vor.u32 v1, v3;
	v3 =	vshrl.u32 v2, $0x12  }
0x36: {  	s17 =	sadd.s32 $0x10, s15;
	v2 =	vand.u32 $0x3FFFF, v2;
	v1 =	vor.u32 v0, v1;
	v3 =	vand.u32 $0x1F, v3  }
0x37: {  	v0 =	vld.msk [tilespmem:s17+$0x0 ss:$0x1], $0xffff;
	v2 =	vsel vm1, $0xFFFFFFFF, v2;
	v3 =	vsel vm1, $0xFFFFFFFF, v3  }
0x38: {  	v5 =	vshll.u32 v2, $0x3;
	v63 =	vshll.u32 v3, $0x12  }
0x39: {  	s31 =	sshll.u32 s12, $0xC;
	v5 =	vand.u32 $0xFFFFFC00, v5;
	v3 =	vshll.u32 v3, $0x7;
	v4 =	vand.u32 $0xFFE00000, v63  }
0x3a: {  	s14 =	sor.u32 $0x2000, s14;
	s15 =	sand.u32 $0x1000, s31;
	(ifvalue) =	ssetifvalue $0x7FFFFFFF;
	v3 =	vand.u32 $0x380, v3;
	v4 =	vadd.s32 v5, v4  }
0x3b: {  	[tilespmem:s14], [sflag:$0x1] =	stream.indirect_vreg.gather [hbm4b:s3+s10], $0x1, v1, vm0, $0x4038;
	v1 =	vand.u32 $0x7F, v2;
	v3 =	vor.u32 v3, v4;
	[tilespmem:$0x4000] =	vst v63  }
0x3c: {  	s16 =	simm.s32 $0x20;
	s15 =	sor.u32 $0x2000, s15;
	s17 =	sadd.s32 $0x10, s17;
	v2 =	vshrl.u32 v0, $0x12;
	v1 =	vor.u32 v1, v3  }
.LBB2_3:
0x3d: {  	s16 =	sadd.s32 $0x10, s16;
	vm1 =	veq.s32 v0, $0x80000000;
	v3 =	vand.u32 $0x3FFFF, v0;
	v0 =	vld.msk [tilespmem:s17+$0x0 ss:$0x1], $0xffff;
	v2 =	vand.u32 $0x1F, v2  }
0x3e: {  	p1 =	slt.u32 s16, $0xFF0;
	v3 =	vsel vm1, $0xFFFFFFFF, v3;
	v2 =	vsel vm1, $0xFFFFFFFF, v2  }
.Ltmp3:
0x3f: {  	v4 =	vshll.u32 v2, $0x12;
	v5 =	vshll.u32 v3, $0x3;
	(pc) =	sbr.rel @p1 .LBB2_3-.Ltmp3, $4  }
0x40: {  	s14 =	sadd.s32 $0x10, s14;
	v2 =	vshll.u32 v2, $0x7;
	v4 =	vand.u32 $0xFFE00000, v4;
	v5 =	vand.u32 $0xFFFFFC00, v5;
	(ifvalue) =	ssetifvalue $0x7FFFFFFF  }
0x41: {  	v2 =	vand.u32 $0x380, v2;
	v4 =	vadd.s32 v5, v4;
	[tilespmem:s14], [sflag:$0x1] =	stream.indirect_vreg.gather [hbm4b:s3+s10], $0x1, v1, vm0, $0x4038;
	[tilespmem:$0x4000] =	vst v63  }
0x42: {  	v1 =	vand.u32 $0x7F, v3;
	v3 =	vor.u32 v2, v4  }
0x43: {  	s17 =	sadd.s32 $0x10, s17;
	v2 =	vshrl.u32 v0, $0x12;
	v1 =	vor.u32 v1, v3  }
.Ltmp4:
0x44: {  	_ = 	snop;
	(pc) =	sbr.rel .LBB2_4-.Ltmp4, $1  }
0x45: {  	_ =	sdelay $0x3  }
.LBB2_6:
0x46: {  	_ =	sfence.sel $0x180000  }
0x47: {  	s2 =	simm.s32 $0x2;
	[bflag:$0x0] =	sbarrier.arrive $0xFFFF  }
0x48: {  	s30 =	simm.s32 $0x3;
	[sflag:s2] =	ssyncpa.u1 $0x1  }
0x49: {  	s31 =	simm.s32 $0x1;
	[sflag:s30] =	ssyncpa.u1 $0x1  }
0x4a: {  	[sflag:s31] =	ssyncpa.u1 $0x1  }
0x4b: {  	p0 =	sne.s32 s1, $0x0;
	_ =	strace $0x90000047  }
0x4c: {  	s0 =	sadd.s32 @!p0 $0x100000, s0;
	[bflag:$0x2] =	sbarrier.arrive $0xFFFF  }
0x4d: {  	[sflag:s0] =	ssyncadd.tile.s32 @!p0 $0x1;
	_ =	shalt  }
.Lfunc_end2:
_tile_overlayer_lowered:
.L_overlay_start_2:
0x4e: {  	(tag) =	ssettag $0x2  }
0x4f: {  	s0 =	rddreg [dreg:$0x0];
	s2 =	stileid.u32  }
0x50: {  	s1 =	rddreg [dreg:$0x1];
	p0 =	sne.s32 s2, $0x0  }
0x51: {  	s3 =	rddreg [dreg:$0x2];
	[bflag:$0x3] =	sbarrier.arrive $0xFFFF;
	s2 =	simm.s32 @!p0 $0x1C01  }
0x52: {  	[timem:s3], [sflag:s2] =	dma.local @!p0 [hbm:s0], s1  }
0x53: {  	s0 =	simm.s32 @!p0 $0x1  }
0x54: {  	_ =	swait.ge @!p0 [sflag:s0], s1  }
0x55: {  	s1 =	ssub.s32 @!p0 $0x0, s1;
	[sflag:s0] =	ssyncset.done @!p0 $0x0  }
0x56: {  	[sflag:s0] =	ssyncadd.s32 @!p0 s1  }
0x57: {  	[bflag:$0x3] =	sbarrier.arrive $0xFFFF  }
0x58: {  	_ =	shalt  }

// kernel: kernel.4.cloned.1.call-start
scs
__scs_entry_jumppad:
0x0: {  	(pc) =	sbr.rel $0x88, $3  }
0x1: {  	(tag) =	ssettag $0x0;
	lr =	simm.s32 $0x1  }
0x2: {  	[smem:$0x3F9F] =	sst lr;
	_ =	strace $0xD0000000  }
0x3: {  	_ = 	snop  }
0x4: {  	_ = 	snop  }
0x5: {  	_ = 	snop  }
0x6: {  	_ = 	snop  }
0x7: {  	_ = 	snop  }
__scs_overlays_trampoline_lowered:
0x8: {  	[smem:$0x3FAE] =	sst s0  }
0x9: {  	[smem:$0x3FAF] =	sst s1  }
0xa: {  	[smem:$0x3FB0] =	sst s2  }
0xb: {  	[smem:$0x3FB1] =	sst s3  }
0xc: {  	[smem:$0x3FB2] =	sst s4  }
0xd: {  	[smem:$0x3FB3] =	sst s5  }
0xe: {  	[smem:$0x3FB4] =	sst s6  }
0xf: {  	[smem:$0x3FB5] =	sst s7  }
0x10: {  	[smem:$0x3FB6] =	sst s8  }
0x11: {  	[smem:$0x3FB7] =	sst s9;
	s0 =	simm.s32 @!p0 $0x0  }
0x12: {  	s1 =	sld [smem:$0x3F9D];
	s0 =	simm.s32 @p0 $0x1  }
0x13: {  	[smem:$0x3FB8] =	sst s0;
	s0 =	simm.s32 @!p1 $0x0  }
0x14: {  	s2 =	sld [smem:$0x3F9C];
	s0 =	simm.s32 @p1 $0x1  }
0x15: {  	[smem:$0x3FB9] =	sst s0;
	s0 =	simm.s32 @!p2 $0x0  }
0x16: {  	s3 =	sld [smem:$0x3FDB];
	s0 =	simm.s32 @p2 $0x1  }
0x17: {  	s4 =	simm.s32 $0x1BF5;
	[smem:$0x3FBB] =	sst s0  }
0x18: {  	s0 =	sld [smem:$0x3F9E];
	_ =	swait.ge [sflag:s4], $0x0  }
0x19: {  	s7 =	sld [smem:$0x3F9F]  }
0x1a: {  	s8 =	sadd.s32 $0xFFFFE003, lr  }
0x1b: {  	s9 =	sadd.s32 $0xFFFFFEF7, lr;
	s5 =	simm.s32 $0xFFFFFFFF;
	p2 =	slt.u32 s8, $0xFFFFF086  }
0x1c: {  	p1 =	slt.u32 s9, $0xF7A;
	s5 =	simm.s32 @!p2 $0x0  }
0x1d: {  	s5 =	simm.s32 @p1 $0x1;
	p0 =	seq.s32 s7, s2  }
0x1e: {  	s7 =	smul.u32 @!p0 $0xF7A, s2;
	p2 =	seq.s32 @!p0 s5, $0x0  }
0x1f: {  	s9 =	smul.u32 $0xF7A, s1;
	s8 =	simm.s32 @!p0 $0x1BF5;
	p2 =	por !p2, p0  }
0x20: {  	[sflag:s8] =	ssyncset.s32 @!p0 $0xFFFFF086;
	s6 =	sadd.s32 @!p0 s3, s7;
	s7 =	simm.s32 @!p0 $0x108  }
0x21: {  	s3 =	sadd.s32 s3, s9;
	s6 =	sadd.s32 @!p0 $0x88, s6;
	s7 =	simm.s32 @p2 $0x1082  }
0x22: {  	[simem:s7], [sflag:s8] =	dma.local @!p0 [hbm:s6], $0xF7A  }
0x23: {  	s9 =	sor.u32 $0xD0000000, s2;
	s6 =	simm.s32 $0x108;
	_ =	swait.ge @!p0 [sflag:s8], $0x0  }
0x24: {  	s3 =	sadd.s32 $0x88, s3;
	s6 =	simm.s32 @!p1 $0x1082;
	[sflag:s4] =	ssyncset.s32 $0xFFFFF086  }
0x25: {  	[simem:s6], [sflag:s4] =	dma.local [hbm:s3], $0xF7A  }
0x26: {  	[smem:$0x3F9F] =	sst s1;
	(tag) =	ssettag s2;
	_ =	strace s9  }
0x27: {  	s1 =	sld [smem:$0x3FAF]  }
0x28: {  	s2 =	sld [smem:$0x3FB0]  }
0x29: {  	s4 =	sld [smem:$0x3FB2]  }
0x2a: {  	p0 =	seq.s32 s5, $0x0;
	s5 =	sld [smem:$0x3FB3]  }
0x2b: {  	s6 =	sld [smem:$0x3FB4]  }
0x2c: {  	s7 =	sld [smem:$0x3FB5]  }
0x2d: {  	s3 =	simm.s32 $0x108;
	s8 =	sld [smem:$0x3FB6]  }
0x2e: {  	s3 =	simm.s32 @!p0 $0x1082;
	s9 =	sld [smem:$0x3FB7]  }
0x2f: {  	lr =	sadd.s32 s0, s3;
	s0 =	sld [smem:$0x3FAE]  }
0x30: {  	s3 =	sld [smem:$0x3FB1]  }
0x31: {  	[smem:$0x3FBA] =	sst s10  }
0x32: {  	s10 =	sld [smem:$0x3FB8];
	_ =	sdelay $0x3  }
0x33: {  	p0 =	seq.s32 s10, $0x1;
	s10 =	sld [smem:$0x3FBA];
	_ =	sdelay $0x3  }
0x34: {  	[smem:$0x3FBA] =	sst s10  }
0x35: {  	s10 =	sld [smem:$0x3FB9];
	_ =	sdelay $0x3  }
0x36: {  	p1 =	seq.s32 s10, $0x1;
	s10 =	sld [smem:$0x3FBA];
	_ =	sdelay $0x3  }
0x37: {  	[smem:$0x3FBA] =	sst s10  }
0x38: {  	s10 =	sld [smem:$0x3FBB]  }
0x39: {  	_ = 	snop;
	(pc) =	sbr.ind lr, $3  }
0x3a: {  	_ = 	snop  }
0x3b: {  	_ = 	snop  }
0x3c: {  	p2 =	seq.s32 s10, $0x1;
	s10 =	sld [smem:$0x3FBA]  }
0x3d: {  	_ =	shalt  }
0x3e: {  	_ =	shalt  }
0x3f: {  	_ =	shalt  }
0x40: {  	_ =	shalt  }
0x41: {  	_ =	shalt  }
0x42: {  	_ =	shalt  }
0x43: {  	_ =	shalt  }
0x44: {  	_ =	shalt  }
0x45: {  	_ =	shalt  }
0x46: {  	_ =	shalt  }
0x47: {  	_ =	shalt  }
0x48: {  	_ =	shalt  }
0x49: {  	_ =	shalt  }
0x4a: {  	_ =	shalt  }
0x4b: {  	_ =	shalt  }
0x4c: {  	_ =	shalt  }
0x4d: {  	_ =	shalt  }
0x4e: {  	_ =	shalt  }
0x4f: {  	_ =	shalt  }
0x50: {  	_ =	shalt  }
0x51: {  	_ =	shalt  }
0x52: {  	_ =	shalt  }
0x53: {  	_ =	shalt  }
0x54: {  	_ =	shalt  }
0x55: {  	_ =	shalt  }
0x56: {  	_ =	shalt  }
0x57: {  	_ =	shalt  }
0x58: {  	_ =	shalt  }
0x59: {  	_ =	shalt  }
0x5a: {  	_ =	shalt  }
0x5b: {  	_ =	shalt  }
0x5c: {  	_ =	shalt  }
0x5d: {  	_ =	shalt  }
0x5e: {  	_ =	shalt  }
0x5f: {  	_ =	shalt  }
0x60: {  	_ =	shalt  }
0x61: {  	_ =	shalt  }
0x62: {  	_ =	shalt  }
0x63: {  	_ =	shalt  }
0x64: {  	_ =	shalt  }
0x65: {  	_ =	shalt  }
0x66: {  	_ =	shalt  }
0x67: {  	_ =	shalt  }
0x68: {  	_ =	shalt  }
0x69: {  	_ =	shalt  }
0x6a: {  	_ =	shalt  }
0x6b: {  	_ =	shalt  }
0x6c: {  	_ =	shalt  }
0x6d: {  	_ =	shalt  }
0x6e: {  	_ =	shalt  }
0x6f: {  	_ =	shalt  }
0x70: {  	_ =	shalt  }
0x71: {  	_ =	shalt  }
0x72: {  	_ =	shalt  }
0x73: {  	_ =	shalt  }
0x74: {  	_ =	shalt  }
0x75: {  	_ =	shalt  }
0x76: {  	_ =	shalt  }
0x77: {  	_ =	shalt  }
0x78: {  	_ =	shalt  }
0x79: {  	_ =	shalt  }
0x7a: {  	_ =	shalt  }
0x7b: {  	_ =	shalt  }
0x7c: {  	_ =	shalt  }
0x7d: {  	_ =	shalt  }
0x7e: {  	_ =	shalt  }
0x7f: {  	_ =	shalt  }
0x80: {  	_ =	shalt  }
0x81: {  	_ =	shalt  }
0x82: {  	_ =	shalt  }
0x83: {  	_ =	shalt  }
0x84: {  	_ =	shalt  }
0x85: {  	_ =	shalt  }
0x86: {  	_ =	shalt  }
0x87: {  	_ =	shalt  }
.Lfunc_end0:
.L_simem_size_0:
called_computation.1_lowered:
.L_overlay_start_0:
0x88: {  	s2 =	sld [smem:$0x3FD9]  }
0x89: {  	s3 =	sld [smem:$0x3FFE];
	_ =	sdelay $0x1  }
0x8a: {  	s1 =	srdreg.scid  }
0x8b: {  	s0 =	sand.u32 $0x1, s1  }
0x8c: {  	s17 =	sshll.u32 s0, $0xA;
	s2 =	sadd.s32 s3, s2  }
0x8d: {  	s2 =	sadd.s32 s2, s17  }
0x8e: {  	[smem:$0x3FC6] =	sst s2  }
0x8f: {  	_ = 	snop  }
0x90: {  	s2 =	sld [smem:$0x3FC8];
	(tm) =	ssettm $0x1  }
0x91: {  	s18 =	sld [smem:$0x3FFB];
	_ =	sdelay $0x3  }
0x92: {  	_ =	strace s18  }
0x93: {  	s3 =	sld [smem:$0x3FFC];
	_ =	sdelay $0x3  }
0x94: {  	_ =	strace s3  }
0x95: {  	s3 =	sld [smem:$0x3FFD];
	_ =	sdelay $0x3  }
0x96: {  	_ =	strace s3  }
0x97: {  	_ =	strace $0x8FFFFFFF  }
0x98: {  	s19 =	sld [smem:$0x3FDB];
	_ =	sdelay $0x1  }
0x99: {  	s4 =	simm.s32 $_scs_section_size  }
0x9a: {  	s5 =	simm.s32 $_size__tile_overlayer_lowered;
	s6 =	simm.s32 $_tile_overlayer_lowered  }
0x9b: {  	s22 =	simm.s32 $0x1BFF;
	s21 =	sshll.u32 s6, $0x1;
	s3 =	sadd.s32 s4, s19  }
0x9c: {  	s7 =	simm.s32 $0x0;
	s20 =	sshll.u32 s5, $0x1;
	s5 =	sadd.s32 s21, s3  }
0x9d: {  	[timem:s7], [sflag:s22] =	dma.local [hbm:s5], s20  }
0x9e: {  	_ =	swait.ge [sflag:s22], s20  }
0x9f: {  	s4 =	ssub.s32 $0x0, s20;
	[sflag:s22] =	ssyncset.done $0x0  }
0xa0: {  	[sflag:s22] =	ssyncadd.s32 s4;
	_ =	sdelay $0x1  }
0xa1: {  	s23 =	simm.s32 $0x1B8B  }
0xa2: {  	_ =	swait.ge [sflag:s23], $0x1  }
0xa3: {  	[sflag:s23] =	ssyncset.done $0x0  }
0xa4: {  	s25 =	simm.s32 $0x1B8E;
	s24 =	sld [smem:$0x3FFE];
	[sflag:s23] =	ssyncadd.s32 $0xFFFFFFFF  }
0xa5: {  	s26 =	simm.s32 $execute0_lowered;
	[smem:$0x3FD2] =	sst s25  }
0xa6: {  	s5 =	sshll.u32 s26, $0x1;
	_ =	strace $0x80000049;
	[dreg:$0x1] =	wrdreg $0xFFFFFFFF  }
0xa7: {  	s28 =	simm.s32 $_size_execute0_lowered;
	s3 =	sadd.s32 s3, s5;
	[dreg:$0x0] =	wrdreg $0x0  }
0xa8: {  	s5 =	sshll.u32 s28, $0x1;
	[dreg:$0x2] =	wrdreg s3  }
0xa9: {  	[dreg:$0x3] =	wrdreg s5  }
0xaa: {  	[dreg:$0x4] =	wrdreg $0xC0  }
0xab: {  	_ =	task [dreg:s7], $0x5FFFF  }
0xac: {  	[dreg:$0x1] =	wrdreg $0xFFFFFFFF  }
0xad: {  	[dreg:$0x0] =	wrdreg $0x60  }
0xae: {  	[dreg:$0x2] =	wrdreg s2  }
0xaf: {  	[dreg:$0x3] =	wrdreg s24  }
0xb0: {  	[dreg:$0x4] =	wrdreg $0x9  }
0xb1: {  	_ =	task.clear_ibuf [dreg:s7], $0x5FFFF;
	_ =	strace $0x90000049  }
0xb2: {  	s29 =	simm.s32 $0x9;
	_ =	strace $0x8000004B  }
0xb3: {  	_ =	swait.ge [sflag:s29], $0x1  }
0xb4: {  	[sflag:s29] =	ssyncadd.s32 $0xFFFFFFFF  }
0xb5: {  	_ =	strace $0x9000004B  }
0xb6: {  	_ =	sfence  }
0xb7: {  	s30 =	sld [smem:$0x0];
	_ =	sdelay $0x2  }
0xb8: {  	s31 =	sshll.u32 s1, $0xD;
	s1 =	sshrl.u32 s1, $0x2  }
0xb9: {  	s3 =	sand.u32 $0x4000, s31;
	s1 =	sadd.s32 s1, s30  }
0xba: {  	s0 =	sor.u32 s3, s0;
	s1 =	sshll.u32 s1, $0x11  }
0xbb: {  	s0 =	sor.u32 s1, s0  }
0xbc: {  	s0 =	sadd.s32 $0x8F2B, s0  }
0xbd: {  	[sflag:s0] =	ssyncadd.remote.s32 $0x1  }
0xbe: {  	_ =	sfence.sel $0xFFFF  }
0xbf: {  	[dreg:$0x0] =	wrdreg $0xFFFFFFFF;
	(pc) =	sbr.abs _section_cstart, $3  }
0xc0: {  	[dreg:$0x1] =	wrdreg $0xFFFFFFFF  }
0xc1: {  	_ =	task.clear_ibuf [dreg:s7], $0x2FFFF;
	_ =	strace $0x9FFFFFFF  }
0xc2: {  	(tm) =	ssettm $0x7FFFFFFF  }
0xc3: {  	_ =	shalt  }
tec
execute0_lowered:
.L_overlay_start_1:
0x0: {  	(tag) =	ssettag $0x1  }
0x1: {  	s3 =	rddreg [dreg:$0x0]  }
0x2: {  	s4 =	rddreg [dreg:$0x1]  }
0x3: {  	s0 =	rddreg [dreg:$0x2];
	s5 =	srdreg.scid  }
0x4: {  	s2 =	simm.s32 $0x0;
	s1 =	stileid.u32;
	s5 =	sand.u32 $0x1, s5  }
0x5: {  	[smem:$0x7FF] =	sst s2;
	s7 =	sshll.u32 s1, $0x1;
	s6 =	ssub.s32 $0x2, s5  }
0x6: {  	_ =	strace $0x8000004A;
	s5 =	sor.u32 s5, s7;
	s8 =	sshrl.u32 s6, $0x1  }
0x7: {  	s7 =	sshll.u32 s5, $0xA;
	s5 =	sshll.u32 s5, $0x1;
	s6 =	ssub.s32 s6, s8  }
0x8: {  	s3 =	sadd.s32 s3, s7;
	s4 =	sadd.s32 s4, s5;
	s7 =	simm.s32 $0x2000  }
0x9: {  	v0 =	vimm.f32 $1.000000000e+00;
	s8 =	simm.s32 $0x0;
	s5 =	smax.u32 s6, $0x1;
	s6 =	simm.s32 $0x1  }
.LBB2_1:
0xa: {  	[tilespmem:s2], [sflag:$0x1] =	stream.linear.gather [hbm4b:s3+s2], $0x2000, $0x38;
	[tilespmem:$0x2010] =	vst v63  }
0xb: {  	_ =	swait.ge [sflag:s6], $0x2000  }
0xc: {  	[sflag:s6] =	ssyncset.done $0x0  }
0xd: {  	s10 =	simm.s32 $0x0;
	[sflag:s6] =	ssyncadd.s32 $0xFFFFE000  }
0xe: {  	v2 =	vld [tilespmem:s10+$0x0]  }
0xf: {  	v1 =	vimm.f32 $0.0e+00;
	s9 =	simm.s32 $0x40  }
.LBB2_2:
0x10: {  	p0 =	sne.s32 s9, $0x7FC0  }
.Ltmp0:
0x11: {  	_ = 	snop;
	(pc) =	sbr.rel @p0 .LBB2_2-.Ltmp0, $4  }
0x12: {  	_ = 	snop  }
0x13: {  	s10 =	sshra.s32 s9, $0x2;
	s9 =	sadd.s32 $0x40, s9;
	vm0 =	veq.s32 v2, $0x0  }
0x14: {  	v2 =	vld [tilespmem:s10+$0x0];
	v3 =	vsel vm0, $0x0, v0  }
0x15: {  	v1 =	vadd.f32 v3, v1  }
0x16: {  	_ =	sdelay $0x2  }
0x17: {  	vm0 =	veq.s32 v2, $0x0  }
0x18: {  	v2 =	vsel vm0, $0x0, v0  }
0x19: {  	s8 =	sadd.s32 $0x1, s8;
	v1 =	vadd.f32 v2, v1  }
0x1a: {  	p0 =	sne.s32 s8, s5  }
.Ltmp1:
0x1b: {  	[tilespmem:$0x2000] =	vst v1;
	(pc) =	sbr.rel @p0 .LBB2_1-.Ltmp1, $4  }
0x1c: {  	[hbm4b:s4+s2] =	stream.linear.scatter [tilespmem:s7], [sflag:$0x1], $0x10, $0x38;
	[tilespmem:$0x2010] =	vst v63  }
0x1d: {  	_ =	swait.ge [sflag:s6], $0x10  }
0x1e: {  	[sflag:s6] =	ssyncset.done $0x0  }
0x1f: {  	[sflag:s6] =	ssyncadd.s32 $0xFFFFFFF0  }
0x20: {  	_ =	sfence.sel $0x180000  }
0x21: {  	[bflag:$0x0] =	sbarrier.arrive $0xFFFF  }
0x22: {  	p0 =	sne.s32 s1, $0x0;
	_ =	strace $0x9000004A  }
0x23: {  	s0 =	sadd.s32 @!p0 $0x100000, s0;
	[bflag:$0x2] =	sbarrier.arrive $0xFFFF  }
0x24: {  	[sflag:s0] =	ssyncadd.tile.s32 @!p0 $0x1;
	_ =	shalt  }
.Lfunc_end2:
_tile_overlayer_lowered:
.L_overlay_start_2:
0x25: {  	(tag) =	ssettag $0x2  }
0x26: {  	s0 =	rddreg [dreg:$0x0];
	s2 =	stileid.u32  }
0x27: {  	s1 =	rddreg [dreg:$0x1];
	p0 =	sne.s32 s2, $0x0  }
0x28: {  	s3 =	rddreg [dreg:$0x2];
	[bflag:$0x3] =	sbarrier.arrive $0xFFFF;
	s2 =	simm.s32 @!p0 $0x1C01  }
0x29: {  	[timem:s3], [sflag:s2] =	dma.local @!p0 [hbm:s0], s1  }
0x2a: {  	s0 =	simm.s32 @!p0 $0x1  }
0x2b: {  	_ =	swait.ge @!p0 [sflag:s0], s1  }
0x2c: {  	s1 =	ssub.s32 @!p0 $0x0, s1;
	[sflag:s0] =	ssyncset.done @!p0 $0x0  }
0x2d: {  	[sflag:s0] =	ssyncadd.s32 @!p0 s1  }
0x2e: {  	[bflag:$0x3] =	sbarrier.arrive $0xFFFF  }
0x2f: {  	_ =	shalt  }

</sc_bundles>
